<compile_context>
chip_gen: v7x
topology: tpu7x:2x2x1
jax: 0.10.2.dev20260603
libtpu: 0.0.44.dev20260713+nightly
codegen_flags: <defaults>
</compile_context>

<pallas_src>
import functools

import jax
import jax.numpy as jnp
from jax import lax
from jax.experimental import pallas as pl
from jax.experimental.pallas import tpu as pltpu
from jax.experimental.pallas import tpu_sc as plsc

Q = 1024
K = 100000
D = 256
C = 100
BK = 5000
NBLK = K // BK
THRESH = 20.0

def _dist_argmin_body(x_ref, keys_ref, xsq_ref, ksq_ref, w_ref, b_ref,
                      dist_ref, idx_ref, mlog_ref):
    pid = pl.program_id(0)

    @pl.when(pid == 0)
    def _init():
        mlog_ref[...] = (
            lax.dot_general(x_ref[...], w_ref[...],
                            (((1,), (0,)), ((), ())))
            + b_ref[...]
        )

    x = x_ref[...]
    keys = keys_ref[...]
    s2 = lax.dot_general(x * -2.0, keys, (((1,), (1,)), ((), ())))
    d2 = (xsq_ref[...] + s2) + ksq_ref[0]

    m_d2 = jnp.min(d2, axis=1, keepdims=True)
    m = jnp.sqrt(m_d2)
    mb = lax.bitcast_convert_type(m_d2, jnp.int32)
    c1 = lax.bitcast_convert_type(mb + 1, jnp.float32)
    c2 = lax.bitcast_convert_type(mb + 2, jnp.float32)
    B = jnp.where(jnp.sqrt(c1) == m,
                  jnp.where(jnp.sqrt(c2) == m, c2, c1), m_d2)
    cols = lax.broadcasted_iota(
        jnp.int32, (1, BK), 1).astype(jnp.float32)
    bidx = jnp.min(jnp.where(d2 <= B, cols, jnp.float32(BK)),
                   axis=1, keepdims=True).astype(jnp.int32)
    gidx = bidx + pid * BK

    @pl.when(pid == 0)
    def _first():
        dist_ref[...] = m
        idx_ref[...] = gidx

    @pl.when(pid > 0)
    def _update():
        better = m < dist_ref[...]
        dist_ref[...] = jnp.where(better, m, dist_ref[...])
        idx_ref[...] = jnp.where(better, gidx, idx_ref[...])


def _dist_argmin(x, cache_keys, W, b2d):
    xsq = jnp.sum(x * x, axis=1, keepdims=True)
    ksq = jnp.sum(cache_keys * cache_keys, axis=1).reshape(NBLK, 1, BK)
    return pl.pallas_call(
        _dist_argmin_body,
        grid=(NBLK,),
        in_specs=[
            pl.BlockSpec((Q, D), lambda i: (0, 0)),
            pl.BlockSpec((BK, D), lambda i: (i, 0)),
            pl.BlockSpec((Q, 1), lambda i: (0, 0)),
            pl.BlockSpec((1, 1, BK), lambda i: (i, 0, 0)),
            pl.BlockSpec((D, C), lambda i: (0, 0)),
            pl.BlockSpec((1, C), lambda i: (0, 0)),
        ],
        out_specs=[
            pl.BlockSpec((Q, 1), lambda i: (0, 0)),
            pl.BlockSpec((Q, 1), lambda i: (0, 0)),
            pl.BlockSpec((Q, C), lambda i: (0, 0)),
        ],
        out_shape=[
            jax.ShapeDtypeStruct((Q, 1), jnp.float32),
            jax.ShapeDtypeStruct((Q, 1), jnp.int32),
            jax.ShapeDtypeStruct((Q, C), jnp.float32),
        ],
    )(x, cache_keys, xsq, ksq, W, b2d)


_NW = 32
_BPW = Q // _NW


def _gather_rows(table, idx):
    mesh = plsc.VectorSubcoreMesh(core_axis_name="c", subcore_axis_name="s")

    @functools.partial(
        pl.kernel,
        mesh=mesh,
        out_type=jax.ShapeDtypeStruct((Q, 128), jnp.float32),
        scratch_types=[
            pltpu.VMEM((_BPW,), jnp.int32),
            pltpu.VMEM((_BPW, 128), jnp.float32),
            pltpu.SemaphoreType.DMA,
        ],
    )
    def _k(table_hbm, idx_hbm, out_hbm, idx_v, rows_v, sem):
        wid = lax.axis_index("s") * 2 + lax.axis_index("c")
        base = wid * _BPW
        pltpu.sync_copy(idx_hbm.at[pl.ds(base, _BPW)], idx_v)
        pltpu.async_copy(table_hbm.at[idx_v], rows_v, sem).wait()
        pltpu.sync_copy(rows_v, out_hbm.at[pl.ds(base, _BPW)])

    return _k(table, idx)


def _finalize_body(mlog_ref, buf_ref, dist_ref, probs_ref, cache_ref):
    clog = buf_ref[...][:, :C]
    is_cache = dist_ref[...] <= THRESH
    logits = jnp.where(is_cache, clog, mlog_ref[...])
    m = jnp.max(logits, axis=1, keepdims=True)
    e = jnp.exp(logits - m)
    probs_ref[...] = e / jnp.sum(e, axis=1, keepdims=True)
    cache_ref[...] = is_cache


def _finalize(mlog, buf, dist):
    return pl.pallas_call(
        _finalize_body,
        out_shape=[
            jax.ShapeDtypeStruct((Q, C), jnp.float32),
            jax.ShapeDtypeStruct((Q, 1), jnp.bool_),
        ],
    )(mlog, buf, dist)


def kernel(x, cache_keys, cache_preds, W, b):
    dist, idx, mlog = _dist_argmin(x, cache_keys, W, b.reshape(1, C))
    table = jnp.pad(cache_preds, ((0, 0), (0, 128 - C)))
    rows = _gather_rows(table, idx.reshape(Q))
    probs, is_cache = _finalize(mlog, rows, dist)
    return probs, is_cache.reshape(Q)

# --- scband reference (transcript-rebuilt; emitter-appended) ---
"""Pipeline reference for scband-stateful-classifier-82660940579524 (READ-ONLY COPY).

The authoritative reference and input builder live on the scoring server;
editing this copy changes nothing except your own understanding.
"""

import jax, jax.numpy as jnp
import numpy as np

THRESHOLD = 20.0  # hyperparameters['threshold'], aggregation='closest'


def setup_inputs(seed: int = 0) -> dict:
    key = jax.random.key(seed)
    k1, k2, k3, k4, k5 = jax.random.split(key, 5)
    Q, K, D, C = 1024, 100000, 256, 100
    x = jax.random.normal(k1, (Q, D), dtype=jnp.float32)
    cache_keys = jax.random.normal(k2, (K, D), dtype=jnp.float32)
    cache_preds = jax.random.normal(k3, (K, C), dtype=jnp.float32)
    # learned params of self.model (linear classifier)
    W = jax.random.normal(k4, (D, C), dtype=jnp.float32) * 0.02
    b = jax.random.normal(k5, (C,), dtype=jnp.float32) * 0.02
    return {"x": x, "cache_keys": cache_keys, "cache_preds": cache_preds, "W": W, "b": b}


def reference(x, cache_keys, cache_preds, W, b):
    # forward_batch with aggregation='closest':
    # for each query: state_module.resultsTopk(x, 1) -> (dist, cached_prediction)
    # if dist <= threshold -> cache hit, return cached prediction (action != rejection_silent)
    # else -> model prediction. Finally softmax over logits.
    # model logits for every sample (original always runs self.model(x))
    model_logits = x @ W + b  # [Q, C]
    # L2 distances query -> all cached keys
    x_sq = jnp.sum(x * x, axis=1, keepdims=True)          # [Q, 1]
    k_sq = jnp.sum(cache_keys * cache_keys, axis=1)       # [K]
    d2 = x_sq - 2.0 * (x @ cache_keys.T) + k_sq[None, :]  # [Q, K]
    dist = jnp.sqrt(jnp.maximum(d2, 0.0))
    # top-1 nearest neighbor (resultsTopk(x, 1))
    neg_top, idx = jax.lax.top_k(-dist, 1)
    min_dist = -neg_top[:, 0]                              # [Q]
    nn_idx = idx[:, 0]                                     # [Q]
    cached_logits = jnp.take(cache_preds, nn_idx, axis=0)  # [Q, C]
    is_cache = min_dist <= THRESHOLD                       # [Q] bool
    logits = jnp.where(is_cache[:, None], cached_logits, model_logits)
    probs = jax.nn.softmax(logits, axis=1)
    return probs, is_cache

if __name__ == "__main__":
    import jax
    _d = setup_inputs()
    print(jax.jit(kernel)(*tuple(_d.values())))

</pallas_src>

<mosaic_0001>
#map = affine_map<(d0, d1) -> (0, 0)>
#map1 = affine_map<(d0, d1) -> (0)>
module attributes {stable_mosaic.version = 14 : i64} {
  func.func @_k(%arg0: i32, %arg1: i32, %arg2: memref<100000x128xf32, #tpu.memory_space<hbm>>, %arg3: memref<1024xi32, #tpu.memory_space<hbm>>, %arg4: memref<1024x128xf32, #tpu.memory_space<hbm>>, %arg5: memref<32xi32, #tpu.memory_space<vmem>>, %arg6: memref<32x128xf32, #tpu.memory_space<vmem>>, %arg7: memref<!tpu.dma_semaphore, #tpu.memory_space<semaphore_mem>>) attributes {dimension_semantics = [#tpu.dimension_semantics<core_parallel>, #tpu.dimension_semantics<subcore_parallel>], iteration_bounds = array<i64: 2, 16>, scalar_prefetch = 0 : i64, scratch_operands = 3 : i64, tpu.core_type = #tpu.core_type<sc_vector_subcore>, window_params = [{transform_indices = #map}, {transform_indices = #map1}, {transform_indices = #map}]} {
    %mul3A = arith.constant 2 : i32
    %mul3A_0 = arith.muli %arg1, %mul3A : i32
    %add3A = arith.addi %mul3A_0, %arg0 : i32
    %mul3A_1 = arith.constant 32 : i32
    %mul3A_2 = arith.muli %add3A, %mul3A_1 : i32
    "tpu.region"() ({
      %run_scoped3A = tpu.sem_alloc : memref<!tpu.dma_semaphore, #tpu.memory_space<semaphore_mem>>
      %dma_start3A_7 = tpu.memref_slice %arg3[%mul3A_2] : memref<1024xi32, #tpu.memory_space<hbm>> -> memref<32xi32, #tpu.memory_space<hbm>>
      %dma_start3A_8 = tpu.memref_slice %arg3[%mul3A_2] : memref<1024xi32, #tpu.memory_space<hbm>> -> memref<32xi32, #tpu.memory_space<hbm>>
      tpu.enqueue_dma source(%dma_start3A_8 : memref<32xi32, #tpu.memory_space<hbm>>) target(%arg5 : memref<32xi32, #tpu.memory_space<vmem>>) target_semaphore(%run_scoped3A : memref<!tpu.dma_semaphore, #tpu.memory_space<semaphore_mem>>)
      %dma_wait3A_9 = tpu.memref_slice %arg3[%mul3A_2] : memref<1024xi32, #tpu.memory_space<hbm>> -> memref<32xi32, #tpu.memory_space<hbm>>
      %dma_wait3A_10 = tpu.memref_slice %arg3[%mul3A_2] : memref<1024xi32, #tpu.memory_space<hbm>> -> memref<32xi32, #tpu.memory_space<hbm>>
      tpu.wait_dma2 semaphore(%run_scoped3A : memref<!tpu.dma_semaphore, #tpu.memory_space<semaphore_mem>>) src(%dma_wait3A_10 : memref<32xi32, #tpu.memory_space<hbm>>) dst(%arg5 : memref<32xi32, #tpu.memory_space<vmem>>)
      tpu.yield
    }) : () -> ()
    %dma_start3A = arith.constant 0 : i32
    %dma_start3A_3 = arith.constant 0 : i32
    %dma_start3A_4 = tpu.memref_slice %arg2[%dma_start3A, %dma_start3A_3] : memref<100000x128xf32, #tpu.memory_space<hbm>> -> memref<100000x128xf32, #tpu.memory_space<hbm>>
    tpu.enqueue_indirect_dma source(%dma_start3A_4 : memref<100000x128xf32, #tpu.memory_space<hbm>>) target(%arg6 : memref<32x128xf32, #tpu.memory_space<vmem>>) offsets(%arg5 : memref<32xi32, #tpu.memory_space<vmem>>) semaphore(%arg7 : memref<!tpu.dma_semaphore, #tpu.memory_space<semaphore_mem>>)
    %dma_wait3A = arith.constant 0 : i32
    %dma_wait3A_5 = arith.constant 0 : i32
    %dma_wait3A_6 = tpu.memref_slice %arg2[%dma_wait3A, %dma_wait3A_5] : memref<100000x128xf32, #tpu.memory_space<hbm>> -> memref<100000x128xf32, #tpu.memory_space<hbm>>
    tpu.wait_indirect_dma semaphore(%arg7 : memref<!tpu.dma_semaphore, #tpu.memory_space<semaphore_mem>>) src(%dma_wait3A_6 : memref<100000x128xf32, #tpu.memory_space<hbm>>) dst(%arg6 : memref<32x128xf32, #tpu.memory_space<vmem>>)
    "tpu.region"() ({
      %run_scoped3A = tpu.sem_alloc : memref<!tpu.dma_semaphore, #tpu.memory_space<semaphore_mem>>
      %dma_start3A_7 = arith.constant 0 : i32
      %dma_start3A_8 = tpu.memref_slice %arg4[%mul3A_2, %dma_start3A_7] : memref<1024x128xf32, #tpu.memory_space<hbm>> -> memref<32x128xf32, #tpu.memory_space<hbm>>
      %dma_start3A_9 = arith.constant 0 : i32
      %dma_start3A_10 = tpu.memref_slice %arg4[%mul3A_2, %dma_start3A_9] : memref<1024x128xf32, #tpu.memory_space<hbm>> -> memref<32x128xf32, #tpu.memory_space<hbm>>
      tpu.enqueue_dma source(%arg6 : memref<32x128xf32, #tpu.memory_space<vmem>>) target(%dma_start3A_10 : memref<32x128xf32, #tpu.memory_space<hbm>>) target_semaphore(%run_scoped3A : memref<!tpu.dma_semaphore, #tpu.memory_space<semaphore_mem>>)
      %dma_wait3A_11 = arith.constant 0 : i32
      %dma_wait3A_12 = tpu.memref_slice %arg4[%mul3A_2, %dma_wait3A_11] : memref<1024x128xf32, #tpu.memory_space<hbm>> -> memref<32x128xf32, #tpu.memory_space<hbm>>
      %dma_wait3A_13 = arith.constant 0 : i32
      %dma_wait3A_14 = tpu.memref_slice %arg4[%mul3A_2, %dma_wait3A_13] : memref<1024x128xf32, #tpu.memory_space<hbm>> -> memref<32x128xf32, #tpu.memory_space<hbm>>
      tpu.wait_dma2 semaphore(%run_scoped3A : memref<!tpu.dma_semaphore, #tpu.memory_space<semaphore_mem>>) src(%arg6 : memref<32x128xf32, #tpu.memory_space<vmem>>) dst(%dma_wait3A_14 : memref<32x128xf32, #tpu.memory_space<hbm>>)
      tpu.yield
    }) : () -> ()
    return
  }
}

module attributes {stable_mosaic.version = 14 : i64} {
  func.func @_dist_argmin_body(%arg0: i32, %arg1: memref<1024x256xf32, #tpu.memory_space<vmem>>, %arg2: memref<5000x256xf32, #tpu.memory_space<vmem>>, %arg3: memref<1024x1xf32, #tpu.memory_space<vmem>>, %arg4: memref<1x1x5000xf32, #tpu.memory_space<vmem>>, %arg5: memref<256x100xf32, #tpu.memory_space<vmem>>, %arg6: memref<1x100xf32, #tpu.memory_space<vmem>>, %arg7: memref<1024x1xf32, #tpu.memory_space<vmem>>, %arg8: memref<1024x1xi32, #tpu.memory_space<vmem>>, %arg9: memref<1024x100xf32, #tpu.memory_space<vmem>>) attributes {dimension_semantics = [#tpu.dimension_semantics<arbitrary>], iteration_bounds = array<i64: 20>, scalar_prefetch = 0 : i64, scratch_operands = 0 : i64, tpu.core_type = #tpu.core_type<tc>, window_params = [{pipeline_mode = #tpu.pipeline_mode<synchronous>, transform_indices = @transform_0, window_bounds = array<i64: 1024, 256>}, {transform_indices = @transform_1, window_bounds = array<i64: 5000, 256>}, {pipeline_mode = #tpu.pipeline_mode<synchronous>, transform_indices = @transform_2, window_bounds = array<i64: 1024, 1>}, {transform_indices = @transform_3, window_bounds = array<i64: 1, 1, 5000>}, {pipeline_mode = #tpu.pipeline_mode<synchronous>, transform_indices = @transform_4, window_bounds = array<i64: 256, 100>}, {pipeline_mode = #tpu.pipeline_mode<synchronous>, transform_indices = @transform_5, window_bounds = array<i64: 1, 100>}, {pipeline_mode = #tpu.pipeline_mode<synchronous>, transform_indices = @transform_6, window_bounds = array<i64: 1024, 1>}, {pipeline_mode = #tpu.pipeline_mode<synchronous>, transform_indices = @transform_7, window_bounds = array<i64: 1024, 1>}, {pipeline_mode = #tpu.pipeline_mode<synchronous>, transform_indices = @transform_8, window_bounds = array<i64: 1024, 100>}]} {
    %eq3A = arith.constant 0 : i32
    %eq3A_0 = arith.cmpi eq, %arg0, %eq3A : i32
    %convert_element_type3A = arith.extui %eq3A_0 : i1 to i32
    %cond3A = arith.constant 0 : i32
    %cond3A_1 = arith.cmpi ne, %convert_element_type3A, %cond3A : i32
    scf.if %cond3A_1 {
      %get3A_58 = arith.constant 0 : index
      %get3A_59 = arith.constant 0 : index
      %get3A_60 = vector.load %arg1[%get3A_58, %get3A_59] : memref<1024x256xf32, #tpu.memory_space<vmem>>, vector<1024x256xf32>
      %get3A_61 = arith.constant 0 : index
      %get3A_62 = arith.constant 0 : index
      %get3A_63 = vector.load %arg5[%get3A_61, %get3A_62] : memref<256x100xf32, #tpu.memory_space<vmem>>, vector<256x100xf32>
      %dot_general3A_64 = arith.constant dense<0.000000e+00> : vector<1024x100xf32>
      %dot_general3A_65 = tpu.matmul %get3A_60, %get3A_63, %dot_general3A_64 {dimension_numbers = #tpu.dot_dimension_numbers<[1], [0], [0], [1], [0, 0, 1, 1], [], []>, transpose_lhs_hint = false} : vector<1024x256xf32>, vector<256x100xf32>, vector<1024x100xf32> -> vector<1024x100xf32>
      %get3A_66 = arith.constant 0 : index
      %get3A_67 = arith.constant 0 : index
      %get3A_68 = vector.load %arg6[%get3A_66, %get3A_67] : memref<1x100xf32, #tpu.memory_space<vmem>>, vector<1x100xf32>
      %add3A_69 = vector.broadcast %get3A_68 : vector<1x100xf32> to vector<1024x100xf32>
      %add3A_70 = arith.addf %dot_general3A_65, %add3A_69 : vector<1024x100xf32>
      %swap3A = arith.constant 0 : index
      %swap3A_71 = arith.constant 0 : index
      %swap3A_72 = vector.load %arg9[%swap3A, %swap3A_71] : memref<1024x100xf32, #tpu.memory_space<vmem>>, vector<1024x100xf32>
      tpu.vector_store %arg9[%swap3A, %swap3A_71], %add3A_70 {strides = array<i32>} : memref<1024x100xf32, #tpu.memory_space<vmem>>, vector<1024x100xf32>,
    } else {
    }
    %get3A = arith.constant 0 : index
    %get3A_2 = arith.constant 0 : index
    %get3A_3 = vector.load %arg1[%get3A, %get3A_2] : memref<1024x256xf32, #tpu.memory_space<vmem>>, vector<1024x256xf32>
    %get3A_4 = arith.constant 0 : index
    %get3A_5 = arith.constant 0 : index
    %get3A_6 = vector.load %arg2[%get3A_4, %get3A_5] : memref<5000x256xf32, #tpu.memory_space<vmem>>, vector<5000x256xf32>
    %mul3A = arith.constant -2.000000e+00 : f32
    %mul3A_7 = vector.broadcast %mul3A : f32 to vector<1024x256xf32>
    %mul3A_8 = arith.mulf %get3A_3, %mul3A_7 : vector<1024x256xf32>
    %dot_general3A = arith.constant dense<0.000000e+00> : vector<1024x5000xf32>
    %dot_general3A_9 = tpu.matmul %mul3A_8, %get3A_6, %dot_general3A {dimension_numbers = #tpu.dot_dimension_numbers<[1], [1], [0], [0], [0, 0, 1, 0], [], []>, transpose_lhs_hint = false} : vector<1024x256xf32>, vector<5000x256xf32>, vector<1024x5000xf32> -> vector<1024x5000xf32>
    %get3A_10 = arith.constant 0 : index
    %get3A_11 = arith.constant 0 : index
    %get3A_12 = vector.load %arg3[%get3A_10, %get3A_11] : memref<1024x1xf32, #tpu.memory_space<vmem>>, vector<1024x1xf32>
    %add3A = vector.broadcast %get3A_12 : vector<1024x1xf32> to vector<1024x5000xf32>
    %add3A_13 = arith.addf %add3A, %dot_general3A_9 : vector<1024x5000xf32>
    %get3A_14 = arith.constant 0 : index
    %get3A_15 = arith.constant 0 : index
    %get3A_16 = arith.constant 0 : index
    %get3A_17 = vector.load %arg4[%get3A_14, %get3A_15, %get3A_16] : memref<1x1x5000xf32, #tpu.memory_space<vmem>>, vector<1x1x5000xf32>
    %get3A_18 = vector.shape_cast %get3A_17 : vector<1x1x5000xf32> to vector<1x5000xf32>
    %add3A_19 = vector.broadcast %get3A_18 : vector<1x5000xf32> to vector<1024x5000xf32>
    %add3A_20 = arith.addf %add3A_13, %add3A_19 : vector<1024x5000xf32>
    %reduce_min3A = arith.constant dense<0x7F800000> : vector<1024xf32>
    %reduce_min3A_21 = vector.multi_reduction <minimumf>, %add3A_20, %reduce_min3A [1] : vector<1024x5000xf32> to vector<1024xf32>
    %broadcast_in_dim3A = vector.shape_cast %reduce_min3A_21 : vector<1024xf32> to vector<1024x1xf32>
    %sqrt3A = math.sqrt %broadcast_in_dim3A : vector<1024x1xf32>
    %bitcast_convert_type3A = tpu.bitcast %broadcast_in_dim3A : vector<1024x1xf32> -> vector<1024x1xi32>
    %add3A_22 = arith.constant 1 : i32
    %add3A_23 = vector.broadcast %add3A_22 : i32 to vector<1024x1xi32>
    %add3A_24 = arith.addi %bitcast_convert_type3A, %add3A_23 : vector<1024x1xi32>
    %bitcast_convert_type3A_25 = tpu.bitcast %add3A_24 : vector<1024x1xi32> -> vector<1024x1xf32>
    %add3A_26 = arith.constant 2 : i32
    %add3A_27 = vector.broadcast %add3A_26 : i32 to vector<1024x1xi32>
    %add3A_28 = arith.addi %bitcast_convert_type3A, %add3A_27 : vector<1024x1xi32>
    %bitcast_convert_type3A_29 = tpu.bitcast %add3A_28 : vector<1024x1xi32> -> vector<1024x1xf32>
    %sqrt3A_30 = math.sqrt %bitcast_convert_type3A_25 : vector<1024x1xf32>
    %eq3A_31 = arith.cmpf oeq, %sqrt3A_30, %sqrt3A : vector<1024x1xf32>
    %sqrt3A_32 = math.sqrt %bitcast_convert_type3A_29 : vector<1024x1xf32>
    %eq3A_33 = arith.cmpf oeq, %sqrt3A_32, %sqrt3A : vector<1024x1xf32>
    %select_n3A = arith.select %eq3A_33, %bitcast_convert_type3A_29, %bitcast_convert_type3A_25 : vector<1024x1xi1>, vector<1024x1xf32>
    %select_n3A_34 = arith.select %eq3A_31, %select_n3A, %broadcast_in_dim3A : vector<1024x1xi1>, vector<1024x1xf32>
    %iota3A = tpu.iota {dimensions = array<i32: 1>} : vector<1x5000xi32>
    %convert_element_type3A_35 = arith.sitofp %iota3A : vector<1x5000xi32> to vector<1x5000xf32>
    %le3A = vector.broadcast %select_n3A_34 : vector<1024x1xf32> to vector<1024x5000xf32>
    %le3A_36 = arith.cmpf ole, %add3A_20, %le3A : vector<1024x5000xf32>
    %jit3A = arith.constant 5.000000e+03 : f32
    %broadcast_in_dim3A_37 = vector.shape_cast %convert_element_type3A_35 : vector<1x5000xf32> to vector<1x5000xf32>
    %broadcast_in_dim3A_38 = vector.broadcast %broadcast_in_dim3A_37 : vector<1x5000xf32> to vector<1024x5000xf32>
    %broadcast_in_dim3A_39 = vector.broadcast %jit3A : f32 to vector<1024x5000xf32>
    %select_n3A_40 = arith.select %le3A_36, %broadcast_in_dim3A_38, %broadcast_in_dim3A_39 : vector<1024x5000xi1>, vector<1024x5000xf32>
    %reduce_min3A_41 = arith.constant dense<0x7F800000> : vector<1024xf32>
    %reduce_min3A_42 = vector.multi_reduction <minimumf>, %select_n3A_40, %reduce_min3A_41 [1] : vector<1024x5000xf32> to vector<1024xf32>
    %broadcast_in_dim3A_43 = vector.shape_cast %reduce_min3A_42 : vector<1024xf32> to vector<1024x1xf32>
    %convert_element_type3A_44 = arith.fptosi %broadcast_in_dim3A_43 : vector<1024x1xf32> to vector<1024x1xi32>
    %mul3A_45 = arith.constant 5000 : i32
    %mul3A_46 = arith.muli %arg0, %mul3A_45 : i32
    %add3A_47 = vector.broadcast %mul3A_46 : i32 to vector<1024x1xi32>
    %add3A_48 = arith.addi %convert_element_type3A_44, %add3A_47 : vector<1024x1xi32>
    %eq3A_49 = arith.constant 0 : i32
    %eq3A_50 = arith.cmpi eq, %arg0, %eq3A_49 : i32
    %convert_element_type3A_51 = arith.extui %eq3A_50 : i1 to i32
    %cond3A_52 = arith.constant 0 : i32
    %cond3A_53 = arith.cmpi ne, %convert_element_type3A_51, %cond3A_52 : i32
    scf.if %cond3A_53 {
      %swap3A = arith.constant 0 : index
      %swap3A_58 = arith.constant 0 : index
      %swap3A_59 = vector.load %arg7[%swap3A, %swap3A_58] : memref<1024x1xf32, #tpu.memory_space<vmem>>, vector<1024x1xf32>
      tpu.vector_store %arg7[%swap3A, %swap3A_58], %sqrt3A {strides = array<i32>} : memref<1024x1xf32, #tpu.memory_space<vmem>>, vector<1024x1xf32>,
      %swap3A_60 = arith.constant 0 : index
      %swap3A_61 = arith.constant 0 : index
      %swap3A_62 = vector.load %arg8[%swap3A_60, %swap3A_61] : memref<1024x1xi32, #tpu.memory_space<vmem>>, vector<1024x1xi32>
      tpu.vector_store %arg8[%swap3A_60, %swap3A_61], %add3A_48 {strides = array<i32>} : memref<1024x1xi32, #tpu.memory_space<vmem>>, vector<1024x1xi32>,
    } else {
    }
    %gt3A = arith.constant 0 : i32
    %gt3A_54 = arith.cmpi sgt, %arg0, %gt3A : i32
    %convert_element_type3A_55 = arith.extui %gt3A_54 : i1 to i32
    %cond3A_56 = arith.constant 0 : i32
    %cond3A_57 = arith.cmpi ne, %convert_element_type3A_55, %cond3A_56 : i32
    scf.if %cond3A_57 {
      %get3A_58 = arith.constant 0 : index
      %get3A_59 = arith.constant 0 : index
      %get3A_60 = vector.load %arg7[%get3A_58, %get3A_59] : memref<1024x1xf32, #tpu.memory_space<vmem>>, vector<1024x1xf32>
      %lt3A = arith.cmpf olt, %sqrt3A, %get3A_60 : vector<1024x1xf32>
      %get3A_61 = arith.constant 0 : index
      %get3A_62 = arith.constant 0 : index
      %get3A_63 = vector.load %arg7[%get3A_61, %get3A_62] : memref<1024x1xf32, #tpu.memory_space<vmem>>, vector<1024x1xf32>
      %select_n3A_64 = arith.select %lt3A, %sqrt3A, %get3A_63 : vector<1024x1xi1>, vector<1024x1xf32>
      %swap3A = arith.constant 0 : index
      %swap3A_65 = arith.constant 0 : index
      %swap3A_66 = vector.load %arg7[%swap3A, %swap3A_65] : memref<1024x1xf32, #tpu.memory_space<vmem>>, vector<1024x1xf32>
      tpu.vector_store %arg7[%swap3A, %swap3A_65], %select_n3A_64 {strides = array<i32>} : memref<1024x1xf32, #tpu.memory_space<vmem>>, vector<1024x1xf32>,
      %get3A_67 = arith.constant 0 : index
      %get3A_68 = arith.constant 0 : index
      %get3A_69 = vector.load %arg8[%get3A_67, %get3A_68] : memref<1024x1xi32, #tpu.memory_space<vmem>>, vector<1024x1xi32>
      %select_n3A_70 = arith.select %lt3A, %add3A_48, %get3A_69 : vector<1024x1xi1>, vector<1024x1xi32>
      %swap3A_71 = arith.constant 0 : index
      %swap3A_72 = arith.constant 0 : index
      %swap3A_73 = vector.load %arg8[%swap3A_71, %swap3A_72] : memref<1024x1xi32, #tpu.memory_space<vmem>>, vector<1024x1xi32>
      tpu.vector_store %arg8[%swap3A_71, %swap3A_72], %select_n3A_70 {strides = array<i32>} : memref<1024x1xi32, #tpu.memory_space<vmem>>, vector<1024x1xi32>,
    } else {
    }
    return
  }
  func.func @transform_0(%arg0: i32) -> (i32, i32) {
    %c0_i32 = arith.constant 0 : i32
    %c0_i32_0 = arith.constant 0 : i32
    %c0_i32_1 = arith.constant 0 : i32
    return %c0_i32, %c0_i32_0 : i32, i32
  }
  func.func @transform_1(%arg0: i32) -> (i32, i32) {
    %c0_i32 = arith.constant 0 : i32
    %c0_i32_0 = arith.constant 0 : i32
    return %arg0, %c0_i32 : i32, i32
  }
  func.func @transform_2(%arg0: i32) -> (i32, i32) {
    %c0_i32 = arith.constant 0 : i32
    %c0_i32_0 = arith.constant 0 : i32
    %c0_i32_1 = arith.constant 0 : i32
    return %c0_i32, %c0_i32_0 : i32, i32
  }
  func.func @transform_3(%arg0: i32) -> (i32, i32, i32) {
    %c0_i32 = arith.constant 0 : i32
    %c0_i32_0 = arith.constant 0 : i32
    %c0_i32_1 = arith.constant 0 : i32
    return %arg0, %c0_i32, %c0_i32_0 : i32, i32, i32
  }
  func.func @transform_4(%arg0: i32) -> (i32, i32) {
    %c0_i32 = arith.constant 0 : i32
    %c0_i32_0 = arith.constant 0 : i32
    %c0_i32_1 = arith.constant 0 : i32
    return %c0_i32, %c0_i32_0 : i32, i32
  }
  func.func @transform_5(%arg0: i32) -> (i32, i32) {
    %c0_i32 = arith.constant 0 : i32
    %c0_i32_0 = arith.constant 0 : i32
    %c0_i32_1 = arith.constant 0 : i32
    return %c0_i32, %c0_i32_0 : i32, i32
  }
  func.func @transform_6(%arg0: i32) -> (i32, i32) {
    %c0_i32 = arith.constant 0 : i32
    %c0_i32_0 = arith.constant 0 : i32
    %c0_i32_1 = arith.constant 0 : i32
    return %c0_i32, %c0_i32_0 : i32, i32
  }
  func.func @transform_7(%arg0: i32) -> (i32, i32) {
    %c0_i32 = arith.constant 0 : i32
    %c0_i32_0 = arith.constant 0 : i32
    %c0_i32_1 = arith.constant 0 : i32
    return %c0_i32, %c0_i32_0 : i32, i32
  }
  func.func @transform_8(%arg0: i32) -> (i32, i32) {
    %c0_i32 = arith.constant 0 : i32
    %c0_i32_0 = arith.constant 0 : i32
    %c0_i32_1 = arith.constant 0 : i32
    return %c0_i32, %c0_i32_0 : i32, i32
  }
}

module attributes {stable_mosaic.version = 14 : i64} {
  func.func @_finalize_body(%arg0: memref<1024x100xf32, #tpu.memory_space<vmem>>, %arg1: memref<1024x128xf32, #tpu.memory_space<vmem>>, %arg2: memref<1024x1xf32, #tpu.memory_space<vmem>>, %arg3: memref<1024x100xf32, #tpu.memory_space<vmem>>, %arg4: memref<1024x1xi32, #tpu.memory_space<vmem>>) attributes {dimension_semantics = [], scalar_prefetch = 0 : i64, scratch_operands = 0 : i64, tpu.core_type = #tpu.core_type<tc>} {
    %get3A = arith.constant 0 : index
    %get3A_0 = arith.constant 0 : index
    %get3A_1 = vector.load %arg1[%get3A, %get3A_0] : memref<1024x128xf32, #tpu.memory_space<vmem>>, vector<1024x128xf32>
    %slice3A = vector.extract_strided_slice %get3A_1 {offsets = [0, 0], sizes = [1024, 100], strides = [1, 1]} : vector<1024x128xf32> to vector<1024x100xf32>
    %get3A_2 = arith.constant 0 : index
    %get3A_3 = arith.constant 0 : index
    %get3A_4 = vector.load %arg2[%get3A_2, %get3A_3] : memref<1024x1xf32, #tpu.memory_space<vmem>>, vector<1024x1xf32>
    %le3A = arith.constant 2.000000e+01 : f32
    %le3A_5 = vector.broadcast %le3A : f32 to vector<1024x1xf32>
    %le3A_6 = arith.cmpf ole, %get3A_4, %le3A_5 : vector<1024x1xf32>
    %get3A_7 = arith.constant 0 : index
    %get3A_8 = arith.constant 0 : index
    %get3A_9 = vector.load %arg0[%get3A_7, %get3A_8] : memref<1024x100xf32, #tpu.memory_space<vmem>>, vector<1024x100xf32>
    %broadcast_in_dim3A = vector.shape_cast %le3A_6 : vector<1024x1xi1> to vector<1024x1xi1>
    %broadcast_in_dim3A_10 = vector.broadcast %broadcast_in_dim3A : vector<1024x1xi1> to vector<1024x100xi1>
    %select_n3A = arith.select %broadcast_in_dim3A_10, %slice3A, %get3A_9 : vector<1024x100xi1>, vector<1024x100xf32>
    %reduce_max3A = arith.constant dense<0xFF800000> : vector<1024xf32>
    %reduce_max3A_11 = vector.multi_reduction <maximumf>, %select_n3A, %reduce_max3A [1] : vector<1024x100xf32> to vector<1024xf32>
    %broadcast_in_dim3A_12 = vector.shape_cast %reduce_max3A_11 : vector<1024xf32> to vector<1024x1xf32>
    %sub3A = vector.broadcast %broadcast_in_dim3A_12 : vector<1024x1xf32> to vector<1024x100xf32>
    %sub3A_13 = arith.subf %select_n3A, %sub3A : vector<1024x100xf32>
    %exp3A = math.exp %sub3A_13 : vector<1024x100xf32>
    %reduce_sum3A = arith.constant dense<0.000000e+00> : vector<1024xf32>
    %reduce_sum3A_14 = vector.multi_reduction <add>, %exp3A, %reduce_sum3A [1] : vector<1024x100xf32> to vector<1024xf32>
    %broadcast_in_dim3A_15 = vector.shape_cast %reduce_sum3A_14 : vector<1024xf32> to vector<1024x1xf32>
    %div3A = vector.broadcast %broadcast_in_dim3A_15 : vector<1024x1xf32> to vector<1024x100xf32>
    %div3A_16 = arith.divf %exp3A, %div3A : vector<1024x100xf32>
    %swap3A = arith.constant 0 : index
    %swap3A_17 = arith.constant 0 : index
    %swap3A_18 = vector.load %arg3[%swap3A, %swap3A_17] : memref<1024x100xf32, #tpu.memory_space<vmem>>, vector<1024x100xf32>
    tpu.vector_store %arg3[%swap3A, %swap3A_17], %div3A_16 {strides = array<i32>} : memref<1024x100xf32, #tpu.memory_space<vmem>>, vector<1024x100xf32>,
    %swap3A_19 = arith.constant 0 : index
    %swap3A_20 = arith.constant 0 : index
    %swap3A_21 = vector.load %arg4[%swap3A_19, %swap3A_20] : memref<1024x1xi32, #tpu.memory_space<vmem>>, vector<1024x1xi32>
    %swap3A_22 = arith.extui %le3A_6 : vector<1024x1xi1> to vector<1024x1xi32>
    %swap3A_23 = arith.constant dense<0> : vector<1024x1xi32>
    %swap3A_24 = arith.cmpi ne, %swap3A_21, %swap3A_23 : vector<1024x1xi32>
    tpu.vector_store %arg4[%swap3A_19, %swap3A_20], %swap3A_22 {strides = array<i32>} : memref<1024x1xi32, #tpu.memory_space<vmem>>, vector<1024x1xi32>,
    return
  }
}

</mosaic_0001>

<sc_bundles>
// kernel: kernel.5.cloned.1.call-start
scs
__scs_entry_jumppad:
0x0: {  	(pc) =	sbr.rel $0x88, $3  }
0x1: {  	(tag) =	ssettag $0x0;
	lr =	simm.s32 $0x1  }
0x2: {  	[smem:$0x3F9C] =	sst lr;
	_ =	strace $0xD0000000  }
0x3: {  	_ = 	snop  }
0x4: {  	_ = 	snop  }
0x5: {  	_ = 	snop  }
0x6: {  	_ = 	snop  }
0x7: {  	_ = 	snop  }
__scs_overlays_trampoline_lowered:
0x8: {  	[smem:$0x3FAB] =	sst s0  }
0x9: {  	[smem:$0x3FAC] =	sst s1  }
0xa: {  	[smem:$0x3FAD] =	sst s2  }
0xb: {  	[smem:$0x3FAE] =	sst s3  }
0xc: {  	[smem:$0x3FAF] =	sst s4  }
0xd: {  	[smem:$0x3FB0] =	sst s5  }
0xe: {  	[smem:$0x3FB1] =	sst s6  }
0xf: {  	[smem:$0x3FB2] =	sst s7  }
0x10: {  	[smem:$0x3FB3] =	sst s8  }
0x11: {  	[smem:$0x3FB4] =	sst s9;
	s0 =	simm.s32 @!p0 $0x0  }
0x12: {  	s1 =	sld [smem:$0x3F9A];
	s0 =	simm.s32 @p0 $0x1  }
0x13: {  	[smem:$0x3FB5] =	sst s0;
	s0 =	simm.s32 @!p1 $0x0  }
0x14: {  	s2 =	sld [smem:$0x3F99];
	s0 =	simm.s32 @p1 $0x1  }
0x15: {  	[smem:$0x3FB6] =	sst s0;
	s0 =	simm.s32 @!p2 $0x0  }
0x16: {  	s3 =	sld [smem:$0x3FDB];
	s0 =	simm.s32 @p2 $0x1  }
0x17: {  	s4 =	simm.s32 $0x1BF5;
	[smem:$0x3FB8] =	sst s0  }
0x18: {  	s0 =	sld [smem:$0x3F9B];
	_ =	swait.ge [sflag:s4], $0x0  }
0x19: {  	s7 =	sld [smem:$0x3F9C]  }
0x1a: {  	s8 =	sadd.s32 $0xFFFFE003, lr  }
0x1b: {  	s9 =	sadd.s32 $0xFFFFFEF7, lr;
	s5 =	simm.s32 $0xFFFFFFFF;
	p2 =	slt.u32 s8, $0xFFFFF086  }
0x1c: {  	p1 =	slt.u32 s9, $0xF7A;
	s5 =	simm.s32 @!p2 $0x0  }
0x1d: {  	s5 =	simm.s32 @p1 $0x1;
	p0 =	seq.s32 s7, s2  }
0x1e: {  	s7 =	smul.u32 @!p0 $0xF7A, s2;
	p2 =	seq.s32 @!p0 s5, $0x0  }
0x1f: {  	s9 =	smul.u32 $0xF7A, s1;
	s8 =	simm.s32 @!p0 $0x1BF5;
	p2 =	por !p2, p0  }
0x20: {  	[sflag:s8] =	ssyncset.s32 @!p0 $0xFFFFF086;
	s6 =	sadd.s32 @!p0 s3, s7;
	s7 =	simm.s32 @!p0 $0x108  }
0x21: {  	s3 =	sadd.s32 s3, s9;
	s6 =	sadd.s32 @!p0 $0x88, s6;
	s7 =	simm.s32 @p2 $0x1082  }
0x22: {  	[simem:s7], [sflag:s8] =	dma.local @!p0 [hbm:s6], $0xF7A  }
0x23: {  	s9 =	sor.u32 $0xD0000000, s2;
	s6 =	simm.s32 $0x108;
	_ =	swait.ge @!p0 [sflag:s8], $0x0  }
0x24: {  	s3 =	sadd.s32 $0x88, s3;
	s6 =	simm.s32 @!p1 $0x1082;
	[sflag:s4] =	ssyncset.s32 $0xFFFFF086  }
0x25: {  	[simem:s6], [sflag:s4] =	dma.local [hbm:s3], $0xF7A  }
0x26: {  	[smem:$0x3F9C] =	sst s1;
	(tag) =	ssettag s2;
	_ =	strace s9  }
0x27: {  	s1 =	sld [smem:$0x3FAC]  }
0x28: {  	s2 =	sld [smem:$0x3FAD]  }
0x29: {  	s4 =	sld [smem:$0x3FAF]  }
0x2a: {  	p0 =	seq.s32 s5, $0x0;
	s5 =	sld [smem:$0x3FB0]  }
0x2b: {  	s6 =	sld [smem:$0x3FB1]  }
0x2c: {  	s7 =	sld [smem:$0x3FB2]  }
0x2d: {  	s3 =	simm.s32 $0x108;
	s8 =	sld [smem:$0x3FB3]  }
0x2e: {  	s3 =	simm.s32 @!p0 $0x1082;
	s9 =	sld [smem:$0x3FB4]  }
0x2f: {  	lr =	sadd.s32 s0, s3;
	s0 =	sld [smem:$0x3FAB]  }
0x30: {  	s3 =	sld [smem:$0x3FAE]  }
0x31: {  	[smem:$0x3FB7] =	sst s10  }
0x32: {  	s10 =	sld [smem:$0x3FB5];
	_ =	sdelay $0x3  }
0x33: {  	p0 =	seq.s32 s10, $0x1;
	s10 =	sld [smem:$0x3FB7];
	_ =	sdelay $0x3  }
0x34: {  	[smem:$0x3FB7] =	sst s10  }
0x35: {  	s10 =	sld [smem:$0x3FB6];
	_ =	sdelay $0x3  }
0x36: {  	p1 =	seq.s32 s10, $0x1;
	s10 =	sld [smem:$0x3FB7];
	_ =	sdelay $0x3  }
0x37: {  	[smem:$0x3FB7] =	sst s10  }
0x38: {  	s10 =	sld [smem:$0x3FB8]  }
0x39: {  	_ = 	snop;
	(pc) =	sbr.ind lr, $3  }
0x3a: {  	_ = 	snop  }
0x3b: {  	_ = 	snop  }
0x3c: {  	p2 =	seq.s32 s10, $0x1;
	s10 =	sld [smem:$0x3FB7]  }
0x3d: {  	_ =	shalt  }
0x3e: {  	_ =	shalt  }
0x3f: {  	_ =	shalt  }
0x40: {  	_ =	shalt  }
0x41: {  	_ =	shalt  }
0x42: {  	_ =	shalt  }
0x43: {  	_ =	shalt  }
0x44: {  	_ =	shalt  }
0x45: {  	_ =	shalt  }
0x46: {  	_ =	shalt  }
0x47: {  	_ =	shalt  }
0x48: {  	_ =	shalt  }
0x49: {  	_ =	shalt  }
0x4a: {  	_ =	shalt  }
0x4b: {  	_ =	shalt  }
0x4c: {  	_ =	shalt  }
0x4d: {  	_ =	shalt  }
0x4e: {  	_ =	shalt  }
0x4f: {  	_ =	shalt  }
0x50: {  	_ =	shalt  }
0x51: {  	_ =	shalt  }
0x52: {  	_ =	shalt  }
0x53: {  	_ =	shalt  }
0x54: {  	_ =	shalt  }
0x55: {  	_ =	shalt  }
0x56: {  	_ =	shalt  }
0x57: {  	_ =	shalt  }
0x58: {  	_ =	shalt  }
0x59: {  	_ =	shalt  }
0x5a: {  	_ =	shalt  }
0x5b: {  	_ =	shalt  }
0x5c: {  	_ =	shalt  }
0x5d: {  	_ =	shalt  }
0x5e: {  	_ =	shalt  }
0x5f: {  	_ =	shalt  }
0x60: {  	_ =	shalt  }
0x61: {  	_ =	shalt  }
0x62: {  	_ =	shalt  }
0x63: {  	_ =	shalt  }
0x64: {  	_ =	shalt  }
0x65: {  	_ =	shalt  }
0x66: {  	_ =	shalt  }
0x67: {  	_ =	shalt  }
0x68: {  	_ =	shalt  }
0x69: {  	_ =	shalt  }
0x6a: {  	_ =	shalt  }
0x6b: {  	_ =	shalt  }
0x6c: {  	_ =	shalt  }
0x6d: {  	_ =	shalt  }
0x6e: {  	_ =	shalt  }
0x6f: {  	_ =	shalt  }
0x70: {  	_ =	shalt  }
0x71: {  	_ =	shalt  }
0x72: {  	_ =	shalt  }
0x73: {  	_ =	shalt  }
0x74: {  	_ =	shalt  }
0x75: {  	_ =	shalt  }
0x76: {  	_ =	shalt  }
0x77: {  	_ =	shalt  }
0x78: {  	_ =	shalt  }
0x79: {  	_ =	shalt  }
0x7a: {  	_ =	shalt  }
0x7b: {  	_ =	shalt  }
0x7c: {  	_ =	shalt  }
0x7d: {  	_ =	shalt  }
0x7e: {  	_ =	shalt  }
0x7f: {  	_ =	shalt  }
0x80: {  	_ =	shalt  }
0x81: {  	_ =	shalt  }
0x82: {  	_ =	shalt  }
0x83: {  	_ =	shalt  }
0x84: {  	_ =	shalt  }
0x85: {  	_ =	shalt  }
0x86: {  	_ =	shalt  }
0x87: {  	_ =	shalt  }
.Lfunc_end0:
.L_simem_size_0:
called_computation_lowered:
.L_overlay_start_0:
0x88: {  	s2 =	sld [smem:$0x3FD9]  }
0x89: {  	s3 =	sld [smem:$0x3FFE];
	_ =	sdelay $0x1  }
0x8a: {  	s1 =	srdreg.scid  }
0x8b: {  	s0 =	sand.u32 $0x1, s1  }
0x8c: {  	s14 =	sshll.u32 s0, $0xA;
	s2 =	sadd.s32 s3, s2  }
0x8d: {  	s2 =	sadd.s32 s2, s14  }
0x8e: {  	[smem:$0x3FC3] =	sst s2  }
0x8f: {  	_ = 	snop  }
0x90: {  	s2 =	sld [smem:$0x3FD0];
	_ =	sdelay $0x2  }
0x91: {  	s15 =	simm.s32 $0xA;
	s4 =	simm.s32 $0x10  }
0x92: {  	[smem:s4], [sflag:s15] =	dma.local [hbm:s2], $0x1  }
0x93: {  	_ =	swait.eq [sflag:s15], $0x1  }
0x94: {  	[sflag:s15] =	ssyncset.done $0x0  }
0x95: {  	[sflag:s15] =	ssyncadd.s32 $0xFFFFFFFF  }
0x96: {  	s16 =	sld [smem:$0x10];
	(tm) =	ssettm $0x1  }
0x97: {  	s17 =	sld [smem:$0x3FFB];
	_ =	sdelay $0x3  }
0x98: {  	_ =	strace s17  }
0x99: {  	s3 =	sld [smem:$0x3FFC];
	_ =	sdelay $0x3  }
0x9a: {  	_ =	strace s3  }
0x9b: {  	s3 =	sld [smem:$0x3FFD];
	_ =	sdelay $0x3  }
0x9c: {  	_ =	strace s3  }
0x9d: {  	_ =	strace $0x8FFFFFFF  }
0x9e: {  	s18 =	sld [smem:$0x3FDB];
	_ =	sdelay $0x1  }
0x9f: {  	s19 =	simm.s32 $_scs_section_size  }
0xa0: {  	s5 =	simm.s32 $_size__tile_overlayer_lowered;
	s6 =	simm.s32 $_tile_overlayer_lowered  }
0xa1: {  	s22 =	simm.s32 $0x1BFF;
	s21 =	sshll.u32 s6, $0x1;
	s3 =	sadd.s32 s19, s18  }
0xa2: {  	s7 =	simm.s32 $0x0;
	s20 =	sshll.u32 s5, $0x1;
	s5 =	sadd.s32 s21, s3  }
0xa3: {  	[timem:s7], [sflag:s22] =	dma.local [hbm:s5], s20  }
0xa4: {  	_ =	swait.ge [sflag:s22], s20  }
0xa5: {  	s4 =	ssub.s32 $0x0, s20;
	[sflag:s22] =	ssyncset.done $0x0  }
0xa6: {  	[sflag:s22] =	ssyncadd.s32 s4;
	_ =	sdelay $0x1  }
0xa7: {  	s23 =	simm.s32 $0x1B8B  }
0xa8: {  	_ =	swait.ge [sflag:s23], $0x1  }
0xa9: {  	[sflag:s23] =	ssyncset.done $0x0  }
0xaa: {  	s25 =	simm.s32 $0x1B8E;
	s24 =	sld [smem:$0x3FFE];
	[sflag:s23] =	ssyncadd.s32 $0xFFFFFFFF  }
0xab: {  	s26 =	simm.s32 $execute0_lowered;
	[smem:$0x3FD2] =	sst s25  }
0xac: {  	s5 =	sshll.u32 s26, $0x1;
	_ =	strace $0x80000046;
	[dreg:$0x1] =	wrdreg $0xFFFFFFFF  }
0xad: {  	s28 =	simm.s32 $_size_execute0_lowered;
	s3 =	sadd.s32 s3, s5;
	[dreg:$0x0] =	wrdreg $0x0  }
0xae: {  	s5 =	sshll.u32 s28, $0x1;
	[dreg:$0x2] =	wrdreg s3  }
0xaf: {  	[dreg:$0x3] =	wrdreg s5  }
0xb0: {  	[dreg:$0x4] =	wrdreg $0xC0  }
0xb1: {  	_ =	task [dreg:s7], $0x5FFFF  }
0xb2: {  	[dreg:$0x1] =	wrdreg $0xFFFFFFFF  }
0xb3: {  	[dreg:$0x0] =	wrdreg $0x60  }
0xb4: {  	[dreg:$0x2] =	wrdreg s24  }
0xb5: {  	[dreg:$0x3] =	wrdreg s16  }
0xb6: {  	[dreg:$0x4] =	wrdreg $0x9  }
0xb7: {  	_ =	task.clear_ibuf [dreg:s7], $0x5FFFF;
	_ =	strace $0x90000046  }
0xb8: {  	s29 =	simm.s32 $0x9;
	_ =	strace $0x80000048  }
0xb9: {  	_ =	swait.ge [sflag:s29], $0x1  }
0xba: {  	[sflag:s29] =	ssyncadd.s32 $0xFFFFFFFF  }
0xbb: {  	_ =	strace $0x90000048  }
0xbc: {  	_ =	sfence  }
0xbd: {  	s30 =	sld [smem:$0x0];
	_ =	sdelay $0x2  }
0xbe: {  	s31 =	sshll.u32 s1, $0xD;
	s1 =	sshrl.u32 s1, $0x2  }
0xbf: {  	s3 =	sand.u32 $0x4000, s31;
	s1 =	sadd.s32 s1, s30  }
0xc0: {  	s0 =	sor.u32 s3, s0;
	s1 =	sshll.u32 s1, $0x11  }
0xc1: {  	s0 =	sor.u32 s1, s0  }
0xc2: {  	s0 =	sadd.s32 $0x8F2B, s0  }
0xc3: {  	[sflag:s0] =	ssyncadd.remote.s32 $0x1  }
0xc4: {  	_ =	sfence.sel $0xFFFF  }
0xc5: {  	[dreg:$0x0] =	wrdreg $0xFFFFFFFF;
	(pc) =	sbr.abs _section_cstart, $3  }
0xc6: {  	[dreg:$0x1] =	wrdreg $0xFFFFFFFF  }
0xc7: {  	_ =	task.clear_ibuf [dreg:s7], $0x2FFFF;
	_ =	strace $0x9FFFFFFF  }
0xc8: {  	(tm) =	ssettm $0x7FFFFFFF  }
0xc9: {  	_ =	shalt  }
tec
execute0_lowered:
.L_overlay_start_1:
0x0: {  	(tag) =	ssettag $0x1  }
0x1: {  	s1 =	srdreg.scid;
	s9 =	rddreg [dreg:$0x0]  }
0x2: {  	s0 =	stileid.u32;
	s3 =	rddreg [dreg:$0x1];
	s6 =	sand.u32 $0x1, s1  }
0x3: {  	s2 =	simm.s32 $0x0;
	s4 =	sshll.u32 s0, $0x6;
	s5 =	sshll.u32 s6, $0x5  }
0x4: {  	s7 =	simm.s32 $0x80;
	[smem:$0x7FF] =	sst s2;
	s10 =	sor.u32 s5, s4  }
0x5: {  	s1 =	rddreg [dreg:$0x2];
	_ =	strace $0x80000047;
	s4 =	sshrl.u32 s10, $0x3  }
0x6: {  	s11 =	ssub.s32 $0x2, s6;
	s4 =	sadd.s32 s3, s4;
	s3 =	simm.s32 $0x2  }
0x7: {  	[tilespmem:s2], [sflag:$0x2] =	stream.linear.gather [hbm4b:s4+s2], $0x20, $0x38;
	[tilespmem:$0x1080] =	vst v63  }
0x8: {  	s8 =	simm.s32 $0x1;
	s12 =	sshrl.u32 s11, $0x1;
	_ =	swait.ge [sflag:s3], $0x20  }
0x9: {  	s6 =	simm.s32 $0x20;
	s11 =	ssub.s32 s11, s12;
	[sflag:s3] =	ssyncset.done $0x0  }
0xa: {  	s5 =	sadd.s32 $0x186A00, s9;
	s31 =	smax.u32 s11, $0x1;
	[sflag:s3] =	ssyncadd.s32 $0xFFFFFFE0  }
0xb: {  	[tilespmem:s7], [sflag:$0x1] =	stream.indirect.gather [hbm4b:s5+s6], $0x80, s2, s6, $0xb8;
	[tilespmem:$0x1080] =	vst v63  }
0xc: {  	p0 =	sne.s32 s31, $0x1;
	_ =	swait.ge [sflag:s8], $0x1000  }
.Ltmp0:
0xd: {  	s10 =	sshll.u32 s10, $0x4;
	[sflag:s8] =	ssyncset.done $0x0;
	(pc) =	sbr.rel @!p0 .LBB2_2-.Ltmp0, $4  }
0xe: {  	s9 =	sadd.s32 s9, s10;
	[sflag:s8] =	ssyncadd.s32 $0xFFFFF000  }
0xf: {  	[hbm4b:s9+s2] =	stream.linear.scatter [tilespmem:s7], [sflag:$0x2], $0x1000, $0x38;
	[tilespmem:$0x1080] =	vst v63  }
0x10: {  	_ =	swait.ge [sflag:s3], $0x1000  }
0x11: {  	s10 =	sadd.s32 $0xFFFFFFFF, s31;
	[sflag:s3] =	ssyncset.done $0x0  }
.LBB2_1:
0x12: {  	p0 =	sne.s32 s10, $0x1;
	s10 =	sadd.s32 $0xFFFFFFFF, s10;
	[sflag:s3] =	ssyncadd.s32 $0xFFFFF000  }
0x13: {  	[tilespmem:s2], [sflag:$0x2] =	stream.linear.gather [hbm4b:s4+s2], $0x20, $0x38;
	[tilespmem:$0x1080] =	vst v63  }
0x14: {  	_ =	swait.ge [sflag:s3], $0x20  }
0x15: {  	[sflag:s3] =	ssyncset.done $0x0  }
0x16: {  	[sflag:s3] =	ssyncadd.s32 $0xFFFFFFE0  }
0x17: {  	[tilespmem:s7], [sflag:$0x1] =	stream.indirect.gather [hbm4b:s5+s6], $0x80, s2, s6, $0xb8;
	[tilespmem:$0x1080] =	vst v63  }
0x18: {  	_ =	swait.ge [sflag:s8], $0x1000  }
.Ltmp1:
0x19: {  	[sflag:s8] =	ssyncset.done $0x0;
	(pc) =	sbr.rel @p0 .LBB2_1-.Ltmp1, $4  }
0x1a: {  	[sflag:s8] =	ssyncadd.s32 $0xFFFFF000  }
0x1b: {  	[hbm4b:s9+s2] =	stream.linear.scatter [tilespmem:s7], [sflag:$0x2], $0x1000, $0x38;
	[tilespmem:$0x1080] =	vst v63  }
0x1c: {  	_ =	swait.ge [sflag:s3], $0x1000  }
0x1d: {  	[sflag:s3] =	ssyncset.done $0x0  }
.LBB2_2:
0x1e: {  	[sflag:s3] =	ssyncadd.s32 $0xFFFFF000  }
0x1f: {  	_ =	sfence.sel $0x180000  }
0x20: {  	[bflag:$0x0] =	sbarrier.arrive $0xFFFF  }
0x21: {  	p0 =	sne.s32 s0, $0x0;
	_ =	strace $0x90000047  }
0x22: {  	s0 =	sadd.s32 @!p0 $0x100000, s1;
	[bflag:$0x2] =	sbarrier.arrive $0xFFFF  }
0x23: {  	[sflag:s0] =	ssyncadd.tile.s32 @!p0 $0x1;
	_ =	shalt  }
.Lfunc_end2:
_tile_overlayer_lowered:
.L_overlay_start_2:
0x24: {  	(tag) =	ssettag $0x2  }
0x25: {  	s0 =	rddreg [dreg:$0x0];
	s2 =	stileid.u32  }
0x26: {  	s1 =	rddreg [dreg:$0x1];
	p0 =	sne.s32 s2, $0x0  }
0x27: {  	s3 =	rddreg [dreg:$0x2];
	[bflag:$0x3] =	sbarrier.arrive $0xFFFF;
	s2 =	simm.s32 @!p0 $0x1C02  }
0x28: {  	[timem:s3], [sflag:s2] =	dma.local @!p0 [hbm:s0], s1  }
0x29: {  	s0 =	simm.s32 @!p0 $0x2  }
0x2a: {  	_ =	swait.ge @!p0 [sflag:s0], s1  }
0x2b: {  	s1 =	ssub.s32 @!p0 $0x0, s1;
	[sflag:s0] =	ssyncset.done @!p0 $0x0  }
0x2c: {  	[sflag:s0] =	ssyncadd.s32 @!p0 s1  }
0x2d: {  	[bflag:$0x3] =	sbarrier.arrive $0xFFFF  }
0x2e: {  	_ =	shalt  }

</sc_bundles>
